<compile_context>
chip_gen: v7x
topology: tpu7x:2x2x1
jax: 0.10.2.dev20260603
libtpu: 0.0.44.dev20260713+nightly
codegen_flags: <defaults>
</compile_context>

<pallas_src>
import functools

import jax
import jax.numpy as jnp
from jax import lax
from jax.experimental import pallas as pl
from jax.experimental.pallas import tpu as pltpu
from jax.experimental.pallas import tpu_sc as plsc

_K = 1000
_OFF0 = 7 * _K + 1
_OFF1 = 23 * _K + 1
_D = 1024
_L = 2
_B = 4


def _vq_kernel(f_ref, cb_ref, tok_ref, pr_ref, idx_ref, csq_ref):
    @pl.when(pl.program_id(0) == 0)
    def _init_csq():
        for l in range(_L):
            cb = cb_ref[l * _K:(l + 1) * _K, :]
            csq_ref[l, :] = jnp.sum(cb * cb, axis=1)

    tt = f_ref.shape[1]
    rows = _B * tt
    toks = []
    for l in range(_L):
        fl = f_ref[:, :, l, :].reshape(rows, _D)
        cb = cb_ref[l * _K:(l + 1) * _K, :]
        dots = jax.lax.dot_general(
            fl, cb, (((1,), (1,)), ((), ())),
            preferred_element_type=jnp.float32)
        dist = csq_ref[l, :][None, :] - 2.0 * dots
        tok = jnp.argmin(dist, axis=1).astype(jnp.int32)
        toks.append(tok)
    tok2 = jnp.stack(toks, axis=1)
    tok_ref[0, :, :] = tok2
    colt = jax.lax.broadcasted_iota(jnp.int32, tok2.shape, 1)
    pr_ref[0, :, :] = tok2 + _OFF0 + colt * (_OFF1 - _OFF0)
    idx_ref[0, :, :] = tok2 + colt * _K


_NROWS = _B * 1500 * _L
_WORKERS = 30
_PER_W = _NROWS // _WORKERS
_CHUNK = 16
_NCHUNK = _PER_W // _CHUNK


def _sc_gather(table, idx):
    mesh = plsc.VectorSubcoreMesh(core_axis_name="c", subcore_axis_name="s")

    @functools.partial(
        pl.kernel, mesh=mesh,
        out_type=jax.ShapeDtypeStruct((_NROWS, _D), jnp.float32),
        scratch_types=[
            pltpu.VMEM((_CHUNK,), jnp.int32),
            pltpu.VMEM((_CHUNK, _D), jnp.float32),
            pltpu.SemaphoreType.DMA,
        ],
    )
    def k(table_hbm, idx_hbm, out_hbm, idx_v, rows_v, sem):
        info = plsc.get_sparse_core_info()
        wid = lax.axis_index("s") * info.num_cores + lax.axis_index("c")

        @pl.when(wid < _WORKERS)
        def _work():
            base = wid * _PER_W

            @pl.loop(0, _NCHUNK)
            def _chunk(j):
                off = base + j * _CHUNK
                pltpu.sync_copy(idx_hbm.at[pl.ds(off, _CHUNK)], idx_v)
                pltpu.async_copy(table_hbm.at[idx_v], rows_v, sem).wait()
                pltpu.sync_copy(rows_v, out_hbm.at[pl.ds(off, _CHUNK)])

    return k(table, idx)


@jax.jit
def kernel(feats, codebooks):
    B, T, L, D = feats.shape
    K = codebooks.shape[1]
    cb2 = codebooks.reshape(L * K, D)
    tt = 250
    nst = T // tt
    tok2, pr2, idx3 = pl.pallas_call(
        _vq_kernel,
        grid=(nst,),
        in_specs=[
            pl.BlockSpec((B, tt, L, D), lambda i: (0, i, 0, 0)),
            pl.BlockSpec((L * K, D), lambda i: (0, 0)),
        ],
        out_specs=[
            pl.BlockSpec((1, B * tt, L), lambda i: (i, 0, 0)),
            pl.BlockSpec((1, B * tt, L), lambda i: (i, 0, 0)),
            pl.BlockSpec((1, B * tt, L), lambda i: (i, 0, 0)),
        ],
        out_shape=[
            jax.ShapeDtypeStruct((nst, B * tt, L), jnp.int32),
            jax.ShapeDtypeStruct((nst, B * tt, L), jnp.int32),
            jax.ShapeDtypeStruct((nst, B * tt, L), jnp.int32),
        ],
        scratch_shapes=[pltpu.VMEM((L, _K), jnp.float32)],
    )(feats, cb2)
    tokens = (tok2.reshape(nst, B, tt, L)
              .transpose(1, 0, 2, 3).reshape(B, T, L))
    pr_tokens = (pr2.reshape(nst, B, tt, L)
                 .transpose(1, 0, 2, 3).reshape(B, T, L))
    idx_flat = (idx3.reshape(nst, B, tt, L)
                .transpose(1, 0, 2, 3).reshape(B * T * L))
    embs = _sc_gather(cb2, idx_flat).reshape(B, T, L, D)
    return tokens, embs, pr_tokens

# --- scband reference (transcript-rebuilt; emitter-appended) ---
"""Pipeline reference for scband-discrete-ssl-77713138254188 (READ-ONLY COPY).

The authoritative reference and input builder live on the scoring server;
editing this copy changes nothing except your own understanding.
"""

import jax, jax.numpy as jnp
import numpy as np

NUM_CLUSTERS = 1000
LAYERS_NUM = [7, 23]


def setup_inputs(seed: int = 0) -> dict:
    key = jax.random.key(seed)
    k1, k2 = jax.random.split(key)
    # feats: SSL hidden states already extracted for the selected layers
    # [B, T, L, D] = [4, 1500, 2, 1024]
    feats = jax.random.normal(k1, (4, 1500, 2, 1024), dtype=jnp.float32)
    # kmeans cluster centers (vocabularies) per layer: [L, K, D]
    codebooks = jax.random.normal(k2, (2, NUM_CLUSTERS, 1024), dtype=jnp.float32)
    return {"feats": feats, "codebooks": codebooks}


def reference(feats, codebooks):
    # Faithful JAX translation of DiscreteSSL.forward semantic-token extraction:
    # for each selected SSL layer, kmeans.predict (nearest centroid in L2),
    # gather the centroid embedding (vocabularies[tokens]), and apply the
    # DiscreteSSLTokenizer offset pr = tok + layer_id * num_clusters + 1
    # (deduplicates=[False,False], bpe_tokenizers=[None,None]).
    B, T, L, D = feats.shape
    K = codebooks.shape[1]
    tokens_list = []
    embs_list = []
    pr_list = []
    for l in range(L):
        f = feats[:, :, l, :]            # [B, T, D]
        cb = codebooks[l]                # [K, D]
        # kmeans predict: argmin_k ||f - c_k||^2 = argmin_k (||c_k||^2 - 2 f.c_k)
        dots = jnp.einsum('btd,kd->btk', f, cb)          # [B, T, K]
        c_sq = jnp.sum(cb * cb, axis=-1)                 # [K]
        dist = c_sq[None, None, :] - 2.0 * dots          # [B, T, K]
        tok = jnp.argmin(dist, axis=-1)                  # [B, T] int
        emb = jnp.take(cb, tok, axis=0)                  # [B, T, D] gather
        pr = tok + LAYERS_NUM[l] * K + 1                 # tokenizer offset
        tokens_list.append(tok)
        embs_list.append(emb)
        pr_list.append(pr)
    tokens = jnp.stack(tokens_list, axis=2)      # [B, T, L]
    embs = jnp.stack(embs_list, axis=2)          # [B, T, L, D]
    pr_tokens = jnp.stack(pr_list, axis=2)       # [B, T, L]
    return tokens, embs, pr_tokens

if __name__ == "__main__":
    import jax
    _d = setup_inputs()
    print(jax.jit(kernel)(*tuple(_d.values())))

</pallas_src>

<mosaic_0001>
#map = affine_map<(d0, d1) -> (0, 0)>
#map1 = affine_map<(d0, d1) -> (0)>
module attributes {stable_mosaic.version = 14 : i64} {
  func.func @k(%arg0: i32, %arg1: i32, %arg2: memref<2000x1024xf32, #tpu.memory_space<hbm>>, %arg3: memref<12000xi32, #tpu.memory_space<hbm>>, %arg4: memref<12000x1024xf32, #tpu.memory_space<hbm>>, %arg5: memref<16xi32, #tpu.memory_space<vmem>>, %arg6: memref<16x1024xf32, #tpu.memory_space<vmem>>, %arg7: memref<!tpu.dma_semaphore, #tpu.memory_space<semaphore_mem>>) attributes {dimension_semantics = [#tpu.dimension_semantics<core_parallel>, #tpu.dimension_semantics<subcore_parallel>], iteration_bounds = array<i64: 2, 16>, scalar_prefetch = 0 : i64, scratch_operands = 3 : i64, tpu.core_type = #tpu.core_type<sc_vector_subcore>, window_params = [{transform_indices = #map}, {transform_indices = #map1}, {transform_indices = #map}]} {
    %mul3A = arith.constant 2 : i32
    %mul3A_0 = arith.muli %arg1, %mul3A : i32
    %add3A = arith.addi %mul3A_0, %arg0 : i32
    %lt3A = arith.constant 30 : i32
    %lt3A_1 = arith.cmpi slt, %add3A, %lt3A : i32
    %convert_element_type3A = arith.extui %lt3A_1 : i1 to i32
    %cond3A = arith.constant 0 : i32
    %cond3A_2 = arith.cmpi ne, %convert_element_type3A, %cond3A : i32
    scf.if %cond3A_2 {
      %mul3A_3 = arith.constant 400 : i32
      %mul3A_4 = arith.muli %add3A, %mul3A_3 : i32
      %scan3A = arith.constant 0 : i32
      %scan3A_5 = arith.constant 25 : i32
      %scan3A_6 = arith.addi %scan3A, %scan3A_5 : i32
      %scan3A_7 = arith.constant 1 : i32
      scf.for %scan3A_9 = %scan3A to %scan3A_6 step %scan3A_7  : i32 {
        %mul3A_10 = arith.constant 1 : i32
        %mul3A_11 = arith.muli %scan3A_9, %mul3A_10 : i32
        %add3A_12 = arith.constant 0 : i32
        %add3A_13 = arith.addi %add3A_12, %mul3A_11 : i32
        %mul3A_14 = arith.constant 16 : i32
        %mul3A_15 = arith.muli %add3A_13, %mul3A_14 : i32
        %add3A_16 = arith.addi %mul3A_4, %mul3A_15 : i32
        "tpu.region"() ({
          %run_scoped3A = tpu.sem_alloc : memref<!tpu.dma_semaphore, #tpu.memory_space<semaphore_mem>>
          %dma_start3A_21 = tpu.memref_slice %arg3[%add3A_16] : memref<12000xi32, #tpu.memory_space<hbm>> -> memref<16xi32, #tpu.memory_space<hbm>>
          %dma_start3A_22 = tpu.memref_slice %arg3[%add3A_16] : memref<12000xi32, #tpu.memory_space<hbm>> -> memref<16xi32, #tpu.memory_space<hbm>>
          tpu.enqueue_dma source(%dma_start3A_22 : memref<16xi32, #tpu.memory_space<hbm>>) target(%arg5 : memref<16xi32, #tpu.memory_space<vmem>>) target_semaphore(%run_scoped3A : memref<!tpu.dma_semaphore, #tpu.memory_space<semaphore_mem>>)
          %dma_wait3A_23 = tpu.memref_slice %arg3[%add3A_16] : memref<12000xi32, #tpu.memory_space<hbm>> -> memref<16xi32, #tpu.memory_space<hbm>>
          %dma_wait3A_24 = tpu.memref_slice %arg3[%add3A_16] : memref<12000xi32, #tpu.memory_space<hbm>> -> memref<16xi32, #tpu.memory_space<hbm>>
          tpu.wait_dma2 semaphore(%run_scoped3A : memref<!tpu.dma_semaphore, #tpu.memory_space<semaphore_mem>>) src(%dma_wait3A_24 : memref<16xi32, #tpu.memory_space<hbm>>) dst(%arg5 : memref<16xi32, #tpu.memory_space<vmem>>)
          tpu.yield
        }) : () -> ()
        %dma_start3A = arith.constant 0 : i32
        %dma_start3A_17 = arith.constant 0 : i32
        %dma_start3A_18 = tpu.memref_slice %arg2[%dma_start3A, %dma_start3A_17] : memref<2000x1024xf32, #tpu.memory_space<hbm>> -> memref<2000x1024xf32, #tpu.memory_space<hbm>>
        tpu.enqueue_indirect_dma source(%dma_start3A_18 : memref<2000x1024xf32, #tpu.memory_space<hbm>>) target(%arg6 : memref<16x1024xf32, #tpu.memory_space<vmem>>) offsets(%arg5 : memref<16xi32, #tpu.memory_space<vmem>>) semaphore(%arg7 : memref<!tpu.dma_semaphore, #tpu.memory_space<semaphore_mem>>)
        %dma_wait3A = arith.constant 0 : i32
        %dma_wait3A_19 = arith.constant 0 : i32
        %dma_wait3A_20 = tpu.memref_slice %arg2[%dma_wait3A, %dma_wait3A_19] : memref<2000x1024xf32, #tpu.memory_space<hbm>> -> memref<2000x1024xf32, #tpu.memory_space<hbm>>
        tpu.wait_indirect_dma semaphore(%arg7 : memref<!tpu.dma_semaphore, #tpu.memory_space<semaphore_mem>>) src(%dma_wait3A_20 : memref<2000x1024xf32, #tpu.memory_space<hbm>>) dst(%arg6 : memref<16x1024xf32, #tpu.memory_space<vmem>>)
        "tpu.region"() ({
          %run_scoped3A = tpu.sem_alloc : memref<!tpu.dma_semaphore, #tpu.memory_space<semaphore_mem>>
          %dma_start3A_21 = arith.constant 0 : i32
          %dma_start3A_22 = tpu.memref_slice %arg4[%add3A_16, %dma_start3A_21] : memref<12000x1024xf32, #tpu.memory_space<hbm>> -> memref<16x1024xf32, #tpu.memory_space<hbm>>
          %dma_start3A_23 = arith.constant 0 : i32
          %dma_start3A_24 = tpu.memref_slice %arg4[%add3A_16, %dma_start3A_23] : memref<12000x1024xf32, #tpu.memory_space<hbm>> -> memref<16x1024xf32, #tpu.memory_space<hbm>>
          tpu.enqueue_dma source(%arg6 : memref<16x1024xf32, #tpu.memory_space<vmem>>) target(%dma_start3A_24 : memref<16x1024xf32, #tpu.memory_space<hbm>>) target_semaphore(%run_scoped3A : memref<!tpu.dma_semaphore, #tpu.memory_space<semaphore_mem>>)
          %dma_wait3A_25 = arith.constant 0 : i32
          %dma_wait3A_26 = tpu.memref_slice %arg4[%add3A_16, %dma_wait3A_25] : memref<12000x1024xf32, #tpu.memory_space<hbm>> -> memref<16x1024xf32, #tpu.memory_space<hbm>>
          %dma_wait3A_27 = arith.constant 0 : i32
          %dma_wait3A_28 = tpu.memref_slice %arg4[%add3A_16, %dma_wait3A_27] : memref<12000x1024xf32, #tpu.memory_space<hbm>> -> memref<16x1024xf32, #tpu.memory_space<hbm>>
          tpu.wait_dma2 semaphore(%run_scoped3A : memref<!tpu.dma_semaphore, #tpu.memory_space<semaphore_mem>>) src(%arg6 : memref<16x1024xf32, #tpu.memory_space<vmem>>) dst(%dma_wait3A_28 : memref<16x1024xf32, #tpu.memory_space<hbm>>)
          tpu.yield
        }) : () -> ()
      }
      %scan3A_8 = arith.constant 25 : i32
    } else {
    }
    return
  }
}

module attributes {stable_mosaic.version = 14 : i64} {
  func.func @_vq_kernel(%arg0: i32, %arg1: memref<4x250x2x1024xf32, #tpu.memory_space<vmem>>, %arg2: memref<2000x1024xf32, #tpu.memory_space<vmem>>, %arg3: memref<1x1000x2xi32, #tpu.memory_space<vmem>>, %arg4: memref<1x1000x2xi32, #tpu.memory_space<vmem>>, %arg5: memref<1x1000x2xi32, #tpu.memory_space<vmem>>, %arg6: memref<2x1000xf32, #tpu.memory_space<vmem>>) attributes {dimension_semantics = [#tpu.dimension_semantics<arbitrary>], iteration_bounds = array<i64: 6>, scalar_prefetch = 0 : i64, scratch_operands = 1 : i64, tpu.core_type = #tpu.core_type<tc>, window_params = [{transform_indices = @transform_0, window_bounds = array<i64: 4, 250, 2, 1024>}, {pipeline_mode = #tpu.pipeline_mode<synchronous>, transform_indices = @transform_1, window_bounds = array<i64: 2000, 1024>}, {transform_indices = @transform_2, window_bounds = array<i64: 1, 1000, 2>}, {transform_indices = @transform_3, window_bounds = array<i64: 1, 1000, 2>}, {transform_indices = @transform_4, window_bounds = array<i64: 1, 1000, 2>}]} {
    %eq3A = arith.constant 0 : i32
    %eq3A_0 = arith.cmpi eq, %arg0, %eq3A : i32
    %convert_element_type3A = arith.extui %eq3A_0 : i1 to i32
    %cond3A = arith.constant 0 : i32
    %cond3A_1 = arith.cmpi ne, %convert_element_type3A, %cond3A : i32
    scf.if %cond3A_1 {
      %get3A_70 = arith.constant 0 : index
      %get3A_71 = arith.constant 0 : index
      %get3A_72 = vector.load %arg2[%get3A_70, %get3A_71] : memref<2000x1024xf32, #tpu.memory_space<vmem>>, vector<1000x1024xf32>
      %mul3A_73 = arith.mulf %get3A_72, %get3A_72 : vector<1000x1024xf32>
      %reduce_sum3A = arith.constant dense<0.000000e+00> : vector<1000xf32>
      %reduce_sum3A_74 = vector.multi_reduction <add>, %mul3A_73, %reduce_sum3A [1] : vector<1000x1024xf32> to vector<1000xf32>
      %swap3A_75 = arith.constant 0 : index
      %swap3A_76 = arith.constant 0 : index
      %swap3A_77 = vector.load %arg6[%swap3A_75, %swap3A_76] : memref<2x1000xf32, #tpu.memory_space<vmem>>, vector<1x1000xf32>
      %swap3A_78 = vector.shape_cast %swap3A_77 : vector<1x1000xf32> to vector<1000xf32>
      %swap3A_79 = vector.shape_cast %reduce_sum3A_74 : vector<1000xf32> to vector<1x1000xf32>
      tpu.vector_store %arg6[%swap3A_75, %swap3A_76], %swap3A_79 {strides = array<i32>} : memref<2x1000xf32, #tpu.memory_space<vmem>>, vector<1x1000xf32>,
      %get3A_80 = arith.constant 1000 : index
      %get3A_81 = arith.constant 0 : index
      %get3A_82 = vector.load %arg2[%get3A_80, %get3A_81] : memref<2000x1024xf32, #tpu.memory_space<vmem>>, vector<1000x1024xf32>
      %mul3A_83 = arith.mulf %get3A_82, %get3A_82 : vector<1000x1024xf32>
      %reduce_sum3A_84 = arith.constant dense<0.000000e+00> : vector<1000xf32>
      %reduce_sum3A_85 = vector.multi_reduction <add>, %mul3A_83, %reduce_sum3A_84 [1] : vector<1000x1024xf32> to vector<1000xf32>
      %swap3A_86 = arith.constant 1 : index
      %swap3A_87 = arith.constant 0 : index
      %swap3A_88 = vector.load %arg6[%swap3A_86, %swap3A_87] : memref<2x1000xf32, #tpu.memory_space<vmem>>, vector<1x1000xf32>
      %swap3A_89 = vector.shape_cast %swap3A_88 : vector<1x1000xf32> to vector<1000xf32>
      %swap3A_90 = vector.shape_cast %reduce_sum3A_85 : vector<1000xf32> to vector<1x1000xf32>
      tpu.vector_store %arg6[%swap3A_86, %swap3A_87], %swap3A_90 {strides = array<i32>} : memref<2x1000xf32, #tpu.memory_space<vmem>>, vector<1x1000xf32>,
    } else {
    }
    %get3A = arith.constant 0 : index
    %get3A_2 = arith.constant 0 : index
    %get3A_3 = arith.constant 0 : index
    %get3A_4 = arith.constant 0 : index
    %get3A_5 = vector.load %arg1[%get3A, %get3A_2, %get3A_3, %get3A_4] : memref<4x250x2x1024xf32, #tpu.memory_space<vmem>>, vector<4x250x1x1024xf32>
    %get3A_6 = vector.shape_cast %get3A_5 : vector<4x250x1x1024xf32> to vector<4x250x1024xf32>
    %reshape3A = vector.shape_cast %get3A_6 : vector<4x250x1024xf32> to vector<1000x1024xf32>
    %get3A_7 = arith.constant 0 : index
    %get3A_8 = arith.constant 0 : index
    %get3A_9 = vector.load %arg2[%get3A_7, %get3A_8] : memref<2000x1024xf32, #tpu.memory_space<vmem>>, vector<1000x1024xf32>
    %dot_general3A = arith.constant dense<0.000000e+00> : vector<1000x1000xf32>
    %dot_general3A_10 = tpu.matmul %reshape3A, %get3A_9, %dot_general3A {dimension_numbers = #tpu.dot_dimension_numbers<[1], [1], [0], [0], [0, 0, 1, 0], [], []>, transpose_lhs_hint = false} : vector<1000x1024xf32>, vector<1000x1024xf32>, vector<1000x1000xf32> -> vector<1000x1000xf32>
    %get3A_11 = arith.constant 0 : index
    %get3A_12 = arith.constant 0 : index
    %get3A_13 = vector.load %arg6[%get3A_11, %get3A_12] : memref<2x1000xf32, #tpu.memory_space<vmem>>, vector<1x1000xf32>
    %get3A_14 = vector.shape_cast %get3A_13 : vector<1x1000xf32> to vector<1000xf32>
    %broadcast_in_dim3A = vector.shape_cast %get3A_14 : vector<1000xf32> to vector<1x1000xf32>
    %mul3A = arith.constant 2.000000e+00 : f32
    %mul3A_15 = vector.broadcast %mul3A : f32 to vector<1000x1000xf32>
    %mul3A_16 = arith.mulf %mul3A_15, %dot_general3A_10 : vector<1000x1000xf32>
    %sub3A = vector.broadcast %broadcast_in_dim3A : vector<1x1000xf32> to vector<1000x1000xf32>
    %sub3A_17 = arith.subf %sub3A, %mul3A_16 : vector<1000x1000xf32>
    %argmin3A = tpu.reduce_index %sub3A_17 {axis = 1 : i32, kind = #tpu.reduction_kind<arg_min>} : vector<1000x1000xf32> -> vector<1000xi32>
    %get3A_18 = arith.constant 0 : index
    %get3A_19 = arith.constant 0 : index
    %get3A_20 = arith.constant 1 : index
    %get3A_21 = arith.constant 0 : index
    %get3A_22 = vector.load %arg1[%get3A_18, %get3A_19, %get3A_20, %get3A_21] : memref<4x250x2x1024xf32, #tpu.memory_space<vmem>>, vector<4x250x1x1024xf32>
    %get3A_23 = vector.shape_cast %get3A_22 : vector<4x250x1x1024xf32> to vector<4x250x1024xf32>
    %reshape3A_24 = vector.shape_cast %get3A_23 : vector<4x250x1024xf32> to vector<1000x1024xf32>
    %get3A_25 = arith.constant 1000 : index
    %get3A_26 = arith.constant 0 : index
    %get3A_27 = vector.load %arg2[%get3A_25, %get3A_26] : memref<2000x1024xf32, #tpu.memory_space<vmem>>, vector<1000x1024xf32>
    %dot_general3A_28 = arith.constant dense<0.000000e+00> : vector<1000x1000xf32>
    %dot_general3A_29 = tpu.matmul %reshape3A_24, %get3A_27, %dot_general3A_28 {dimension_numbers = #tpu.dot_dimension_numbers<[1], [1], [0], [0], [0, 0, 1, 0], [], []>, transpose_lhs_hint = false} : vector<1000x1024xf32>, vector<1000x1024xf32>, vector<1000x1000xf32> -> vector<1000x1000xf32>
    %get3A_30 = arith.constant 1 : index
    %get3A_31 = arith.constant 0 : index
    %get3A_32 = vector.load %arg6[%get3A_30, %get3A_31] : memref<2x1000xf32, #tpu.memory_space<vmem>>, vector<1x1000xf32>
    %get3A_33 = vector.shape_cast %get3A_32 : vector<1x1000xf32> to vector<1000xf32>
    %broadcast_in_dim3A_34 = vector.shape_cast %get3A_33 : vector<1000xf32> to vector<1x1000xf32>
    %mul3A_35 = arith.constant 2.000000e+00 : f32
    %mul3A_36 = vector.broadcast %mul3A_35 : f32 to vector<1000x1000xf32>
    %mul3A_37 = arith.mulf %mul3A_36, %dot_general3A_29 : vector<1000x1000xf32>
    %sub3A_38 = vector.broadcast %broadcast_in_dim3A_34 : vector<1x1000xf32> to vector<1000x1000xf32>
    %sub3A_39 = arith.subf %sub3A_38, %mul3A_37 : vector<1000x1000xf32>
    %argmin3A_40 = tpu.reduce_index %sub3A_39 {axis = 1 : i32, kind = #tpu.reduction_kind<arg_min>} : vector<1000x1000xf32> -> vector<1000xi32>
    %stack3A = vector.shape_cast %argmin3A : vector<1000xi32> to vector<1000x1xi32>
    %stack3A_41 = vector.shape_cast %argmin3A_40 : vector<1000xi32> to vector<1000x1xi32>
    %stack3A_42 = tpu.concatenate %stack3A, %stack3A_41 in 1 : vector<1000x1xi32>, vector<1000x1xi32> -> vector<1000x2xi32>
    %swap3A = arith.constant 0 : index
    %swap3A_43 = arith.constant 0 : index
    %swap3A_44 = arith.constant 0 : index
    %swap3A_45 = vector.load %arg3[%swap3A, %swap3A_43, %swap3A_44] : memref<1x1000x2xi32, #tpu.memory_space<vmem>>, vector<1x1000x2xi32>
    %swap3A_46 = vector.shape_cast %swap3A_45 : vector<1x1000x2xi32> to vector<1000x2xi32>
    %swap3A_47 = vector.shape_cast %stack3A_42 : vector<1000x2xi32> to vector<1x1000x2xi32>
    tpu.vector_store %arg3[%swap3A, %swap3A_43, %swap3A_44], %swap3A_47 {strides = array<i32>} : memref<1x1000x2xi32, #tpu.memory_space<vmem>>, vector<1x1000x2xi32>,
    %iota3A = tpu.iota {dimensions = array<i32: 1>} : vector<1000x2xi32>
    %add3A = arith.constant 7001 : i32
    %add3A_48 = vector.broadcast %add3A : i32 to vector<1000x2xi32>
    %add3A_49 = arith.addi %stack3A_42, %add3A_48 : vector<1000x2xi32>
    %mul3A_50 = arith.constant 16000 : i32
    %mul3A_51 = vector.broadcast %mul3A_50 : i32 to vector<1000x2xi32>
    %mul3A_52 = arith.muli %iota3A, %mul3A_51 : vector<1000x2xi32>
    %add3A_53 = arith.addi %add3A_49, %mul3A_52 : vector<1000x2xi32>
    %swap3A_54 = arith.constant 0 : index
    %swap3A_55 = arith.constant 0 : index
    %swap3A_56 = arith.constant 0 : index
    %swap3A_57 = vector.load %arg4[%swap3A_54, %swap3A_55, %swap3A_56] : memref<1x1000x2xi32, #tpu.memory_space<vmem>>, vector<1x1000x2xi32>
    %swap3A_58 = vector.shape_cast %swap3A_57 : vector<1x1000x2xi32> to vector<1000x2xi32>
    %swap3A_59 = vector.shape_cast %add3A_53 : vector<1000x2xi32> to vector<1x1000x2xi32>
    tpu.vector_store %arg4[%swap3A_54, %swap3A_55, %swap3A_56], %swap3A_59 {strides = array<i32>} : memref<1x1000x2xi32, #tpu.memory_space<vmem>>, vector<1x1000x2xi32>,
    %mul3A_60 = arith.constant 1000 : i32
    %mul3A_61 = vector.broadcast %mul3A_60 : i32 to vector<1000x2xi32>
    %mul3A_62 = arith.muli %iota3A, %mul3A_61 : vector<1000x2xi32>
    %add3A_63 = arith.addi %stack3A_42, %mul3A_62 : vector<1000x2xi32>
    %swap3A_64 = arith.constant 0 : index
    %swap3A_65 = arith.constant 0 : index
    %swap3A_66 = arith.constant 0 : index
    %swap3A_67 = vector.load %arg5[%swap3A_64, %swap3A_65, %swap3A_66] : memref<1x1000x2xi32, #tpu.memory_space<vmem>>, vector<1x1000x2xi32>
    %swap3A_68 = vector.shape_cast %swap3A_67 : vector<1x1000x2xi32> to vector<1000x2xi32>
    %swap3A_69 = vector.shape_cast %add3A_63 : vector<1000x2xi32> to vector<1x1000x2xi32>
    tpu.vector_store %arg5[%swap3A_64, %swap3A_65, %swap3A_66], %swap3A_69 {strides = array<i32>} : memref<1x1000x2xi32, #tpu.memory_space<vmem>>, vector<1x1000x2xi32>,
    return
  }
  func.func @transform_0(%arg0: i32) -> (i32, i32, i32, i32) {
    %c0_i32 = arith.constant 0 : i32
    %c0_i32_0 = arith.constant 0 : i32
    %c0_i32_1 = arith.constant 0 : i32
    %c0_i32_2 = arith.constant 0 : i32
    return %c0_i32, %arg0, %c0_i32_0, %c0_i32_1 : i32, i32, i32, i32
  }
  func.func @transform_1(%arg0: i32) -> (i32, i32) {
    %c0_i32 = arith.constant 0 : i32
    %c0_i32_0 = arith.constant 0 : i32
    %c0_i32_1 = arith.constant 0 : i32
    return %c0_i32, %c0_i32_0 : i32, i32
  }
  func.func @transform_2(%arg0: i32) -> (i32, i32, i32) {
    %c0_i32 = arith.constant 0 : i32
    %c0_i32_0 = arith.constant 0 : i32
    %c0_i32_1 = arith.constant 0 : i32
    return %arg0, %c0_i32, %c0_i32_0 : i32, i32, i32
  }
  func.func @transform_3(%arg0: i32) -> (i32, i32, i32) {
    %c0_i32 = arith.constant 0 : i32
    %c0_i32_0 = arith.constant 0 : i32
    %c0_i32_1 = arith.constant 0 : i32
    return %arg0, %c0_i32, %c0_i32_0 : i32, i32, i32
  }
  func.func @transform_4(%arg0: i32) -> (i32, i32, i32) {
    %c0_i32 = arith.constant 0 : i32
    %c0_i32_0 = arith.constant 0 : i32
    %c0_i32_1 = arith.constant 0 : i32
    return %arg0, %c0_i32, %c0_i32_0 : i32, i32, i32
  }
}

</mosaic_0001>

<sc_bundles>
// kernel: kernel.4.cloned.1.call-start
scs
__scs_entry_jumppad:
0x0: {  	(pc) =	sbr.rel $0x88, $3  }
0x1: {  	(tag) =	ssettag $0x0;
	lr =	simm.s32 $0x1  }
0x2: {  	[smem:$0x3F9F] =	sst lr;
	_ =	strace $0xD0000000  }
0x3: {  	_ = 	snop  }
0x4: {  	_ = 	snop  }
0x5: {  	_ = 	snop  }
0x6: {  	_ = 	snop  }
0x7: {  	_ = 	snop  }
__scs_overlays_trampoline_lowered:
0x8: {  	[smem:$0x3FAE] =	sst s0  }
0x9: {  	[smem:$0x3FAF] =	sst s1  }
0xa: {  	[smem:$0x3FB0] =	sst s2  }
0xb: {  	[smem:$0x3FB1] =	sst s3  }
0xc: {  	[smem:$0x3FB2] =	sst s4  }
0xd: {  	[smem:$0x3FB3] =	sst s5  }
0xe: {  	[smem:$0x3FB4] =	sst s6  }
0xf: {  	[smem:$0x3FB5] =	sst s7  }
0x10: {  	[smem:$0x3FB6] =	sst s8  }
0x11: {  	[smem:$0x3FB7] =	sst s9;
	s0 =	simm.s32 @!p0 $0x0  }
0x12: {  	s1 =	sld [smem:$0x3F9D];
	s0 =	simm.s32 @p0 $0x1  }
0x13: {  	[smem:$0x3FB8] =	sst s0;
	s0 =	simm.s32 @!p1 $0x0  }
0x14: {  	s2 =	sld [smem:$0x3F9C];
	s0 =	simm.s32 @p1 $0x1  }
0x15: {  	[smem:$0x3FB9] =	sst s0;
	s0 =	simm.s32 @!p2 $0x0  }
0x16: {  	s3 =	sld [smem:$0x3FDB];
	s0 =	simm.s32 @p2 $0x1  }
0x17: {  	s4 =	simm.s32 $0x1BF5;
	[smem:$0x3FBB] =	sst s0  }
0x18: {  	s0 =	sld [smem:$0x3F9E];
	_ =	swait.ge [sflag:s4], $0x0  }
0x19: {  	s7 =	sld [smem:$0x3F9F]  }
0x1a: {  	s8 =	sadd.s32 $0xFFFFE003, lr  }
0x1b: {  	s9 =	sadd.s32 $0xFFFFFEF7, lr;
	s5 =	simm.s32 $0xFFFFFFFF;
	p2 =	slt.u32 s8, $0xFFFFF086  }
0x1c: {  	p1 =	slt.u32 s9, $0xF7A;
	s5 =	simm.s32 @!p2 $0x0  }
0x1d: {  	s5 =	simm.s32 @p1 $0x1;
	p0 =	seq.s32 s7, s2  }
0x1e: {  	s7 =	smul.u32 @!p0 $0xF7A, s2;
	p2 =	seq.s32 @!p0 s5, $0x0  }
0x1f: {  	s9 =	smul.u32 $0xF7A, s1;
	s8 =	simm.s32 @!p0 $0x1BF5;
	p2 =	por !p2, p0  }
0x20: {  	[sflag:s8] =	ssyncset.s32 @!p0 $0xFFFFF086;
	s6 =	sadd.s32 @!p0 s3, s7;
	s7 =	simm.s32 @!p0 $0x108  }
0x21: {  	s3 =	sadd.s32 s3, s9;
	s6 =	sadd.s32 @!p0 $0x88, s6;
	s7 =	simm.s32 @p2 $0x1082  }
0x22: {  	[simem:s7], [sflag:s8] =	dma.local @!p0 [hbm:s6], $0xF7A  }
0x23: {  	s9 =	sor.u32 $0xD0000000, s2;
	s6 =	simm.s32 $0x108;
	_ =	swait.ge @!p0 [sflag:s8], $0x0  }
0x24: {  	s3 =	sadd.s32 $0x88, s3;
	s6 =	simm.s32 @!p1 $0x1082;
	[sflag:s4] =	ssyncset.s32 $0xFFFFF086  }
0x25: {  	[simem:s6], [sflag:s4] =	dma.local [hbm:s3], $0xF7A  }
0x26: {  	[smem:$0x3F9F] =	sst s1;
	(tag) =	ssettag s2;
	_ =	strace s9  }
0x27: {  	s1 =	sld [smem:$0x3FAF]  }
0x28: {  	s2 =	sld [smem:$0x3FB0]  }
0x29: {  	s4 =	sld [smem:$0x3FB2]  }
0x2a: {  	p0 =	seq.s32 s5, $0x0;
	s5 =	sld [smem:$0x3FB3]  }
0x2b: {  	s6 =	sld [smem:$0x3FB4]  }
0x2c: {  	s7 =	sld [smem:$0x3FB5]  }
0x2d: {  	s3 =	simm.s32 $0x108;
	s8 =	sld [smem:$0x3FB6]  }
0x2e: {  	s3 =	simm.s32 @!p0 $0x1082;
	s9 =	sld [smem:$0x3FB7]  }
0x2f: {  	lr =	sadd.s32 s0, s3;
	s0 =	sld [smem:$0x3FAE]  }
0x30: {  	s3 =	sld [smem:$0x3FB1]  }
0x31: {  	[smem:$0x3FBA] =	sst s10  }
0x32: {  	s10 =	sld [smem:$0x3FB8];
	_ =	sdelay $0x3  }
0x33: {  	p0 =	seq.s32 s10, $0x1;
	s10 =	sld [smem:$0x3FBA];
	_ =	sdelay $0x3  }
0x34: {  	[smem:$0x3FBA] =	sst s10  }
0x35: {  	s10 =	sld [smem:$0x3FB9];
	_ =	sdelay $0x3  }
0x36: {  	p1 =	seq.s32 s10, $0x1;
	s10 =	sld [smem:$0x3FBA];
	_ =	sdelay $0x3  }
0x37: {  	[smem:$0x3FBA] =	sst s10  }
0x38: {  	s10 =	sld [smem:$0x3FBB]  }
0x39: {  	_ = 	snop;
	(pc) =	sbr.ind lr, $3  }
0x3a: {  	_ = 	snop  }
0x3b: {  	_ = 	snop  }
0x3c: {  	p2 =	seq.s32 s10, $0x1;
	s10 =	sld [smem:$0x3FBA]  }
0x3d: {  	_ =	shalt  }
0x3e: {  	_ =	shalt  }
0x3f: {  	_ =	shalt  }
0x40: {  	_ =	shalt  }
0x41: {  	_ =	shalt  }
0x42: {  	_ =	shalt  }
0x43: {  	_ =	shalt  }
0x44: {  	_ =	shalt  }
0x45: {  	_ =	shalt  }
0x46: {  	_ =	shalt  }
0x47: {  	_ =	shalt  }
0x48: {  	_ =	shalt  }
0x49: {  	_ =	shalt  }
0x4a: {  	_ =	shalt  }
0x4b: {  	_ =	shalt  }
0x4c: {  	_ =	shalt  }
0x4d: {  	_ =	shalt  }
0x4e: {  	_ =	shalt  }
0x4f: {  	_ =	shalt  }
0x50: {  	_ =	shalt  }
0x51: {  	_ =	shalt  }
0x52: {  	_ =	shalt  }
0x53: {  	_ =	shalt  }
0x54: {  	_ =	shalt  }
0x55: {  	_ =	shalt  }
0x56: {  	_ =	shalt  }
0x57: {  	_ =	shalt  }
0x58: {  	_ =	shalt  }
0x59: {  	_ =	shalt  }
0x5a: {  	_ =	shalt  }
0x5b: {  	_ =	shalt  }
0x5c: {  	_ =	shalt  }
0x5d: {  	_ =	shalt  }
0x5e: {  	_ =	shalt  }
0x5f: {  	_ =	shalt  }
0x60: {  	_ =	shalt  }
0x61: {  	_ =	shalt  }
0x62: {  	_ =	shalt  }
0x63: {  	_ =	shalt  }
0x64: {  	_ =	shalt  }
0x65: {  	_ =	shalt  }
0x66: {  	_ =	shalt  }
0x67: {  	_ =	shalt  }
0x68: {  	_ =	shalt  }
0x69: {  	_ =	shalt  }
0x6a: {  	_ =	shalt  }
0x6b: {  	_ =	shalt  }
0x6c: {  	_ =	shalt  }
0x6d: {  	_ =	shalt  }
0x6e: {  	_ =	shalt  }
0x6f: {  	_ =	shalt  }
0x70: {  	_ =	shalt  }
0x71: {  	_ =	shalt  }
0x72: {  	_ =	shalt  }
0x73: {  	_ =	shalt  }
0x74: {  	_ =	shalt  }
0x75: {  	_ =	shalt  }
0x76: {  	_ =	shalt  }
0x77: {  	_ =	shalt  }
0x78: {  	_ =	shalt  }
0x79: {  	_ =	shalt  }
0x7a: {  	_ =	shalt  }
0x7b: {  	_ =	shalt  }
0x7c: {  	_ =	shalt  }
0x7d: {  	_ =	shalt  }
0x7e: {  	_ =	shalt  }
0x7f: {  	_ =	shalt  }
0x80: {  	_ =	shalt  }
0x81: {  	_ =	shalt  }
0x82: {  	_ =	shalt  }
0x83: {  	_ =	shalt  }
0x84: {  	_ =	shalt  }
0x85: {  	_ =	shalt  }
0x86: {  	_ =	shalt  }
0x87: {  	_ =	shalt  }
.Lfunc_end0:
.L_simem_size_0:
called_computation_lowered:
.L_overlay_start_0:
0x88: {  	s2 =	sld [smem:$0x3FD9]  }
0x89: {  	s3 =	sld [smem:$0x3FFE];
	_ =	sdelay $0x1  }
0x8a: {  	s1 =	srdreg.scid  }
0x8b: {  	s0 =	sand.u32 $0x1, s1  }
0x8c: {  	s14 =	sshll.u32 s0, $0xA;
	s2 =	sadd.s32 s3, s2  }
0x8d: {  	s2 =	sadd.s32 s2, s14  }
0x8e: {  	[smem:$0x3FC6] =	sst s2  }
0x8f: {  	_ = 	snop  }
0x90: {  	s2 =	sld [smem:$0x3FD0];
	_ =	sdelay $0x2  }
0x91: {  	s4 =	simm.s32 $0xA;
	s5 =	simm.s32 $0x10;
	s15 =	sld [smem:$0x3FC8]  }
0x92: {  	[smem:s5], [sflag:s4] =	dma.local [hbm:s2], $0x1  }
0x93: {  	_ =	swait.eq [sflag:s4], $0x1  }
0x94: {  	[sflag:s4] =	ssyncset.done $0x0  }
0x95: {  	[sflag:s4] =	ssyncadd.s32 $0xFFFFFFFF  }
0x96: {  	s16 =	sld [smem:$0x11];
	(tm) =	ssettm $0x1  }
0x97: {  	s17 =	sld [smem:$0x3FFB];
	_ =	sdelay $0x3  }
0x98: {  	_ =	strace s17  }
0x99: {  	s4 =	sld [smem:$0x3FFC];
	_ =	sdelay $0x3  }
0x9a: {  	_ =	strace s4  }
0x9b: {  	s4 =	sld [smem:$0x3FFD];
	_ =	sdelay $0x3  }
0x9c: {  	_ =	strace s4  }
0x9d: {  	_ =	strace $0x8FFFFFFF  }
0x9e: {  	s18 =	sld [smem:$0x3FDB];
	_ =	sdelay $0x1  }
0x9f: {  	s19 =	simm.s32 $_scs_section_size  }
0xa0: {  	s6 =	simm.s32 $_size__tile_overlayer_lowered;
	s7 =	simm.s32 $_tile_overlayer_lowered  }
0xa1: {  	s22 =	simm.s32 $0x1BFF;
	s21 =	sshll.u32 s7, $0x1;
	s4 =	sadd.s32 s19, s18  }
0xa2: {  	s8 =	simm.s32 $0x0;
	s20 =	sshll.u32 s6, $0x1;
	s6 =	sadd.s32 s21, s4  }
0xa3: {  	[timem:s8], [sflag:s22] =	dma.local [hbm:s6], s20  }
0xa4: {  	_ =	swait.ge [sflag:s22], s20  }
0xa5: {  	s5 =	ssub.s32 $0x0, s20;
	[sflag:s22] =	ssyncset.done $0x0  }
0xa6: {  	[sflag:s22] =	ssyncadd.s32 s5;
	_ =	sdelay $0x1  }
0xa7: {  	s23 =	simm.s32 $0x1B8B  }
0xa8: {  	_ =	swait.ge [sflag:s23], $0x1  }
0xa9: {  	[sflag:s23] =	ssyncset.done $0x0  }
0xaa: {  	s25 =	simm.s32 $0x1B8E;
	s24 =	sld [smem:$0x3FFE];
	[sflag:s23] =	ssyncadd.s32 $0xFFFFFFFF  }
0xab: {  	s26 =	simm.s32 $execute0_lowered;
	[smem:$0x3FD2] =	sst s25  }
0xac: {  	s6 =	sshll.u32 s26, $0x1;
	_ =	strace $0x80000046;
	[dreg:$0x1] =	wrdreg $0xFFFFFFFF  }
0xad: {  	s28 =	simm.s32 $_size_execute0_lowered;
	s4 =	sadd.s32 s4, s6;
	[dreg:$0x0] =	wrdreg $0x0  }
0xae: {  	s6 =	sshll.u32 s28, $0x1;
	[dreg:$0x2] =	wrdreg s4  }
0xaf: {  	[dreg:$0x3] =	wrdreg s6  }
0xb0: {  	[dreg:$0x4] =	wrdreg $0xC0  }
0xb1: {  	_ =	task [dreg:s8], $0x5FFFF  }
0xb2: {  	[dreg:$0x1] =	wrdreg $0xFFFFFFFF  }
0xb3: {  	[dreg:$0x0] =	wrdreg $0x60  }
0xb4: {  	[dreg:$0x2] =	wrdreg s15  }
0xb5: {  	[dreg:$0x3] =	wrdreg s16  }
0xb6: {  	[dreg:$0x4] =	wrdreg s24  }
0xb7: {  	[dreg:$0x5] =	wrdreg $0x9  }
0xb8: {  	_ =	task.clear_ibuf [dreg:s8], $0x6FFFF;
	_ =	strace $0x90000046  }
0xb9: {  	s29 =	simm.s32 $0x9;
	_ =	strace $0x80000048  }
0xba: {  	_ =	swait.ge [sflag:s29], $0x1  }
0xbb: {  	[sflag:s29] =	ssyncadd.s32 $0xFFFFFFFF  }
0xbc: {  	_ =	strace $0x90000048  }
0xbd: {  	_ =	sfence  }
0xbe: {  	s30 =	sld [smem:$0x0];
	_ =	sdelay $0x2  }
0xbf: {  	s31 =	sshll.u32 s1, $0xD;
	s1 =	sshrl.u32 s1, $0x2  }
0xc0: {  	s3 =	sand.u32 $0x4000, s31;
	s1 =	sadd.s32 s1, s30  }
0xc1: {  	s0 =	sor.u32 s3, s0;
	s1 =	sshll.u32 s1, $0x11  }
0xc2: {  	s0 =	sor.u32 s1, s0  }
0xc3: {  	s0 =	sadd.s32 $0x8F2B, s0  }
0xc4: {  	[sflag:s0] =	ssyncadd.remote.s32 $0x1  }
0xc5: {  	_ =	sfence.sel $0xFFFF  }
0xc6: {  	[dreg:$0x0] =	wrdreg $0xFFFFFFFF;
	(pc) =	sbr.abs _section_cstart, $3  }
0xc7: {  	[dreg:$0x1] =	wrdreg $0xFFFFFFFF  }
0xc8: {  	_ =	task.clear_ibuf [dreg:s8], $0x2FFFF;
	_ =	strace $0x9FFFFFFF  }
0xc9: {  	(tm) =	ssettm $0x7FFFFFFF  }
tec
execute0_lowered:
.L_overlay_start_1:
0x0: {  	(tag) =	ssettag $0x1  }
0x1: {  	s2 =	stileid.u32  }
0x2: {  	p0 =	seq.s32 s2, $0xF  }
.Ltmp0:
0x3: {  	s1 =	rddreg [dreg:$0x0];
	(pc) =	sbr.rel @p0 .LBB2_5-.Ltmp0, $4  }
0x4: {  	s9 =	rddreg [dreg:$0x1]  }
0x5: {  	s4 =	rddreg [dreg:$0x2];
	s3 =	simm.s32 $0x0  }
0x6: {  	[smem:$0x7FF] =	sst s3  }
0x7: {  	s0 =	rddreg [dreg:$0x3];
	_ =	strace $0x80000047  }
0x8: {  	s7 =	sadd.s32 $0x800, s4;
	s30 =	srdreg.scid;
	s8 =	smul.u32 $0x19000, s2  }
0x9: {  	s4 =	sadd.s32 $0x100, s1;
	s11 =	smul.u32 $0x320, s2;
	s5 =	sadd.s32 $0x200, s1  }
0xa: {  	s6 =	sadd.s32 $0x300, s1;
	s15 =	simm.s32 $0x2080;
	s16 =	simm.s32 $0x2880  }
0xb: {  	s17 =	simm.s32 $0x3080;
	s18 =	simm.s32 $0x3880;
	s10 =	sand.u32 $0x1, s30  }
0xc: {  	s19 =	simm.s32 $0x1;
	s12 =	ssub.s32 $0x2, s10;
	s13 =	smul.u32 $0x190, s10  }
0xd: {  	s20 =	simm.s32 $0x0;
	s10 =	smul.u32 $0xC800, s10;
	s14 =	sshrl.u32 s12, $0x1  }
0xe: {  	s8 =	sadd.s32 s8, s7;
	s12 =	ssub.s32 s12, s14;
	s11 =	sadd.s32 s13, s11  }
0xf: {  	v2 =	vlaneseq.u32;
	s8 =	sadd.s32 s10, s8;
	s10 =	simm.s32 $0x2;
	s13 =	simm.s32 $0x1080  }
0x10: {  	vm0 =	vmmov $0xffff;
	v1 =	vshrl.u32 v2, $0x3;
	s14 =	simm.s32 $0x1880;
	s7 =	smax.u32 s12, $0x1;
	s31 =	sshrl.u32 s11, $0x3  }
0x11: {  	v0 =	vand.u32 $0x7, v2;
	v2 =	vor.u32 $0x8, v2;
	v1 =	vmul.u32 $0x8, v1;
	s11 =	simm.s32 $0x80;
	s12 =	simm.s32 $0x880;
	s9 =	sadd.s32 s31, s9  }
.LBB2_2:
0x12: {  	s21 =	sadd.s32 $0x0, s9  }
0x13: {  	[tilespmem:s3], [sflag:$0x2] =	stream.linear.gather [hbm4b:s21+s3], $0x10, $0x38;
	[tilespmem:$0x4080] =	vst v63  }
0x14: {  	_ =	swait.ge [sflag:s10], $0x10  }
0x15: {  	[sflag:s10] =	ssyncset.done $0x0  }
0x16: {  	[sflag:s10] =	ssyncadd.s32 $0xFFFFFFF0  }
0x17: {  	v3 =	vld [tilespmem:$0x0];
	_ =	sdelay $0x4  }
0x18: {  	v4 =	vshll.u32 v3, $0x3  }
0x19: {  	v3 =	vand.u32 $0x7, v3;
	v4 =	vand.u32 $0xFFFFFFC0, v4  }
0x1a: {  	v3 =	vor.u32 v3, v4  }
0x1b: {  	v4 =	vperm.xlane v3, v0;
	_ =	sdelay $0x1  }
0x1c: {  	v4 =	vadd.s32 v1, v4;
	_ =	sdelay $0x4  }
0x1d: {  	[tilespmem:s11], [sflag:$0x1] =	stream.indirect_vreg.gather [hbm4b:s1+s3], $0x80, v4, vm0, $0xb8;
	[tilespmem:$0x4080] =	vst v63  }
0x1e: {  	v3 =	vperm.xlane v3, v2  }
0x1f: {  	[tilespmem:s12], [sflag:$0x1] =	stream.indirect_vreg.gather [hbm4b:s4+s3], $0x80, v4, vm0, $0xb8;
	[tilespmem:$0x4080] =	vst v63  }
0x20: {  	v3 =	vadd.s32 v1, v3  }
0x21: {  	[tilespmem:s13], [sflag:$0x1] =	stream.indirect_vreg.gather [hbm4b:s5+s3], $0x80, v4, vm0, $0xb8;
	[tilespmem:$0x4080] =	vst v63  }
0x22: {  	_ = 	snop  }
0x23: {  	[tilespmem:s14], [sflag:$0x1] =	stream.indirect_vreg.gather [hbm4b:s6+s3], $0x80, v4, vm0, $0xb8;
	[tilespmem:$0x4080] =	vst v63  }
0x24: {  	_ = 	snop  }
0x25: {  	[tilespmem:s15], [sflag:$0x1] =	stream.indirect_vreg.gather [hbm4b:s1+s3], $0x80, v3, vm0, $0xb8;
	[tilespmem:$0x4080] =	vst v63  }
0x26: {  	_ = 	snop  }
0x27: {  	[tilespmem:s16], [sflag:$0x1] =	stream.indirect_vreg.gather [hbm4b:s4+s3], $0x80, v3, vm0, $0xb8;
	[tilespmem:$0x4080] =	vst v63  }
0x28: {  	_ = 	snop  }
0x29: {  	[tilespmem:s17], [sflag:$0x1] =	stream.indirect_vreg.gather [hbm4b:s5+s3], $0x80, v3, vm0, $0xb8;
	[tilespmem:$0x4080] =	vst v63  }
0x2a: {  	_ = 	snop  }
0x2b: {  	[tilespmem:s18], [sflag:$0x1] =	stream.indirect_vreg.gather [hbm4b:s6+s3], $0x80, v3, vm0, $0xb8;
	[tilespmem:$0x4080] =	vst v63  }
0x2c: {  	_ =	swait.ge [sflag:s19], $0x4000  }
0x2d: {  	[sflag:s19] =	ssyncset.done $0x0  }
0x2e: {  	[sflag:s19] =	ssyncadd.s32 $0xFFFFC000  }
0x2f: {  	[hbm4b:s8+s3] =	stream.linear.scatter [tilespmem:s11], [sflag:$0x2], $0x4000, $0x38;
	[tilespmem:$0x4080] =	vst v63  }
0x30: {  	s22 =	simm.s32 $0x2;
	_ =	swait.ge [sflag:s10], $0x4000  }
0x31: {  	s24 =	simm.s32 $0x4;
	s21 =	sadd.s32 $0x800, s8;
	[sflag:s10] =	ssyncset.done $0x0  }
.LBB2_3:
0x32: {  	s25 =	sadd.s32 s22, s9  }
0x33: {  	[sflag:s10] =	ssyncadd.s32 $0xFFFFC000;
	s22 =	smov.u32 s24;
	s23 =	sadd.s32 $0x2, s24  }
0x34: {  	[tilespmem:s3], [sflag:$0x2] =	stream.linear.gather [hbm4b:s25+s3], $0x10, $0x38;
	[tilespmem:$0x4080] =	vst v63  }
0x35: {  	p0 =	sne.s32 s24, $0x30;
	_ =	swait.ge [sflag:s10], $0x10  }
0x36: {  	[sflag:s10] =	ssyncset.done $0x0  }
0x37: {  	[sflag:s10] =	ssyncadd.s32 $0xFFFFFFF0  }
0x38: {  	v3 =	vld [tilespmem:$0x0];
	_ =	sdelay $0x4  }
0x39: {  	v4 =	vshll.u32 v3, $0x3  }
0x3a: {  	v3 =	vand.u32 $0x7, v3;
	v4 =	vand.u32 $0xFFFFFFC0, v4  }
0x3b: {  	v3 =	vor.u32 v3, v4  }
0x3c: {  	v4 =	vperm.xlane v3, v0;
	v3 =	vperm.xlane v3, v2;
	_ =	sdelay $0x1  }
0x3d: {  	v4 =	vadd.s32 v1, v4;
	_ =	sdelay $0x4  }
0x3e: {  	[tilespmem:s11], [sflag:$0x1] =	stream.indirect_vreg.gather [hbm4b:s1+s3], $0x80, v4, vm0, $0xb8;
	[tilespmem:$0x4080] =	vst v63  }
0x3f: {  	_ = 	snop  }
0x40: {  	[tilespmem:s12], [sflag:$0x1] =	stream.indirect_vreg.gather [hbm4b:s4+s3], $0x80, v4, vm0, $0xb8;
	[tilespmem:$0x4080] =	vst v63  }
0x41: {  	v3 =	vadd.s32 v1, v3  }
0x42: {  	[tilespmem:s13], [sflag:$0x1] =	stream.indirect_vreg.gather [hbm4b:s5+s3], $0x80, v4, vm0, $0xb8;
	[tilespmem:$0x4080] =	vst v63  }
0x43: {  	_ = 	snop  }
0x44: {  	[tilespmem:s14], [sflag:$0x1] =	stream.indirect_vreg.gather [hbm4b:s6+s3], $0x80, v4, vm0, $0xb8;
	[tilespmem:$0x4080] =	vst v63  }
0x45: {  	_ = 	snop  }
0x46: {  	[tilespmem:s15], [sflag:$0x1] =	stream.indirect_vreg.gather [hbm4b:s1+s3], $0x80, v3, vm0, $0xb8;
	[tilespmem:$0x4080] =	vst v63  }
0x47: {  	_ = 	snop  }
0x48: {  	[tilespmem:s16], [sflag:$0x1] =	stream.indirect_vreg.gather [hbm4b:s4+s3], $0x80, v3, vm0, $0xb8;
	[tilespmem:$0x4080] =	vst v63  }
0x49: {  	_ = 	snop  }
0x4a: {  	[tilespmem:s17], [sflag:$0x1] =	stream.indirect_vreg.gather [hbm4b:s5+s3], $0x80, v3, vm0, $0xb8;
	[tilespmem:$0x4080] =	vst v63  }
0x4b: {  	_ = 	snop  }
0x4c: {  	[tilespmem:s18], [sflag:$0x1] =	stream.indirect_vreg.gather [hbm4b:s6+s3], $0x80, v3, vm0, $0xb8;
	[tilespmem:$0x4080] =	vst v63  }
0x4d: {  	_ =	swait.ge [sflag:s19], $0x4000  }
.Ltmp1:
0x4e: {  	[sflag:s19] =	ssyncset.done $0x0;
	(pc) =	sbr.rel @p0 .LBB2_3-.Ltmp1, $4  }
0x4f: {  	[sflag:s19] =	ssyncadd.s32 $0xFFFFC000  }
0x50: {  	[hbm4b:s21+s3] =	stream.linear.scatter [tilespmem:s11], [sflag:$0x2], $0x4000, $0x38;
	[tilespmem:$0x4080] =	vst v63  }
0x51: {  	_ =	swait.ge [sflag:s10], $0x4000  }
0x52: {  	s24 =	smov.u32 s23;
	s21 =	sadd.s32 $0x800, s21;
	[sflag:s10] =	ssyncset.done $0x0  }
0x53: {  	s22 =	sadd.s32 s22, s9;
	[sflag:s10] =	ssyncadd.s32 $0xFFFFC000  }
0x54: {  	[tilespmem:s3], [sflag:$0x2] =	stream.linear.gather [hbm4b:s22+s3], $0x10, $0x38;
	[tilespmem:$0x4080] =	vst v63  }
0x55: {  	_ =	swait.ge [sflag:s10], $0x10  }
0x56: {  	[sflag:s10] =	ssyncset.done $0x0  }
0x57: {  	[sflag:s10] =	ssyncadd.s32 $0xFFFFFFF0  }
0x58: {  	v3 =	vld [tilespmem:$0x0];
	_ =	sdelay $0x4  }
0x59: {  	v4 =	vshll.u32 v3, $0x3  }
0x5a: {  	v3 =	vand.u32 $0x7, v3;
	v4 =	vand.u32 $0xFFFFFFC0, v4  }
0x5b: {  	v3 =	vor.u32 v3, v4  }
0x5c: {  	v4 =	vperm.xlane v3, v0;
	_ =	sdelay $0x1  }
0x5d: {  	v4 =	vadd.s32 v1, v4;
	_ =	sdelay $0x4  }
0x5e: {  	[tilespmem:s11], [sflag:$0x1] =	stream.indirect_vreg.gather [hbm4b:s1+s3], $0x80, v4, vm0, $0xb8;
	[tilespmem:$0x4080] =	vst v63  }
0x5f: {  	v3 =	vperm.xlane v3, v2  }
0x60: {  	[tilespmem:s12], [sflag:$0x1] =	stream.indirect_vreg.gather [hbm4b:s4+s3], $0x80, v4, vm0, $0xb8;
	[tilespmem:$0x4080] =	vst v63  }
0x61: {  	v3 =	vadd.s32 v1, v3  }
0x62: {  	[tilespmem:s13], [sflag:$0x1] =	stream.indirect_vreg.gather [hbm4b:s5+s3], $0x80, v4, vm0, $0xb8;
	[tilespmem:$0x4080] =	vst v63  }
0x63: {  	_ = 	snop  }
0x64: {  	[tilespmem:s14], [sflag:$0x1] =	stream.indirect_vreg.gather [hbm4b:s6+s3], $0x80, v4, vm0, $0xb8;
	[tilespmem:$0x4080] =	vst v63  }
0x65: {  	_ = 	snop  }
0x66: {  	[tilespmem:s15], [sflag:$0x1] =	stream.indirect_vreg.gather [hbm4b:s1+s3], $0x80, v3, vm0, $0xb8;
	[tilespmem:$0x4080] =	vst v63  }
0x67: {  	_ = 	snop  }
0x68: {  	[tilespmem:s16], [sflag:$0x1] =	stream.indirect_vreg.gather [hbm4b:s4+s3], $0x80, v3, vm0, $0xb8;
	[tilespmem:$0x4080] =	vst v63  }
0x69: {  	_ = 	snop  }
0x6a: {  	[tilespmem:s17], [sflag:$0x1] =	stream.indirect_vreg.gather [hbm4b:s5+s3], $0x80, v3, vm0, $0xb8;
	[tilespmem:$0x4080] =	vst v63  }
0x6b: {  	_ = 	snop  }
0x6c: {  	[tilespmem:s18], [sflag:$0x1] =	stream.indirect_vreg.gather [hbm4b:s6+s3], $0x80, v3, vm0, $0xb8;
	[tilespmem:$0x4080] =	vst v63  }
0x6d: {  	s20 =	sadd.s32 $0x1, s20;
	_ =	swait.ge [sflag:s19], $0x4000  }
0x6e: {  	p0 =	sne.s32 s20, s7;
	[sflag:s19] =	ssyncset.done $0x0  }
.Ltmp2:
0x6f: {  	[sflag:s19] =	ssyncadd.s32 $0xFFFFC000;
	(pc) =	sbr.rel @p0 .LBB2_2-.Ltmp2, $4  }
0x70: {  	[hbm4b:s21+s3] =	stream.linear.scatter [tilespmem:s11], [sflag:$0x2], $0x4000, $0x38;
	[tilespmem:$0x4080] =	vst v63  }
0x71: {  	_ =	swait.ge [sflag:s10], $0x4000  }
0x72: {  	[sflag:s10] =	ssyncset.done $0x0  }
0x73: {  	[sflag:s10] =	ssyncadd.s32 $0xFFFFC000  }
.LBB2_5:
0x74: {  	_ =	sfence.sel $0x180000  }
0x75: {  	[bflag:$0x0] =	sbarrier.arrive $0xFFFF  }
0x76: {  	p0 =	sne.s32 s2, $0x0;
	_ =	strace $0x90000047  }
0x77: {  	s0 =	sadd.s32 @!p0 $0x100000, s0;
	[bflag:$0x2] =	sbarrier.arrive $0xFFFF  }
0x78: {  	[sflag:s0] =	ssyncadd.tile.s32 @!p0 $0x1;
	_ =	shalt  }
.Lfunc_end2:
_tile_overlayer_lowered:
.L_overlay_start_2:
0x79: {  	(tag) =	ssettag $0x2  }
0x7a: {  	s0 =	rddreg [dreg:$0x0];
	s2 =	stileid.u32  }
0x7b: {  	s1 =	rddreg [dreg:$0x1];
	p0 =	sne.s32 s2, $0x0  }
0x7c: {  	s3 =	rddreg [dreg:$0x2];
	[bflag:$0x3] =	sbarrier.arrive $0xFFFF;
	s2 =	simm.s32 @!p0 $0x1C02  }
0x7d: {  	[timem:s3], [sflag:s2] =	dma.local @!p0 [hbm:s0], s1  }
0x7e: {  	s0 =	simm.s32 @!p0 $0x2  }
0x7f: {  	_ =	swait.ge @!p0 [sflag:s0], s1  }
0x80: {  	s1 =	ssub.s32 @!p0 $0x0, s1;
	[sflag:s0] =	ssyncset.done @!p0 $0x0  }
0x81: {  	[sflag:s0] =	ssyncadd.s32 @!p0 s1  }
0x82: {  	[bflag:$0x3] =	sbarrier.arrive $0xFFFF  }
0x83: {  	_ =	shalt  }

</sc_bundles>
